<compile_context>
chip_gen: v7x
topology: tpu7x:2x2x1
jax: 0.10.2.dev20260603
libtpu: 0.0.44.dev20260713+nightly
codegen_flags: <defaults>
</compile_context>

<pallas_src>
import functools

import jax
import jax.numpy as jnp
from jax import lax
from jax.experimental import pallas as pl
from jax.experimental.pallas import tpu as pltpu
from jax.experimental.pallas import tpu_sc as plsc

ROW_TILE = 128
SC_CHUNK = 48


def _router_body(h_ref, wr_ref, w_ref, e_ref):
    h = h_ref[...]
    wr = wr_ref[...]
    logits = jnp.dot(h, wr, preferred_element_type=jnp.float32)
    s, e = logits.shape
    col = lax.broadcasted_iota(jnp.int32, (s, e), 1)
    a1 = jnp.argmax(logits, axis=1).astype(jnp.int32)
    m1 = jnp.max(logits, axis=1)
    masked = jnp.where(col == a1[:, None], -jnp.inf, logits)
    a2 = jnp.argmax(masked, axis=1).astype(jnp.int32)
    m2 = jnp.max(masked, axis=1)
    t = jnp.exp(m2 - m1)
    wa = 1.0 / (1.0 + t)
    wb = 1.0 - wa
    w_ref[...] = jnp.concatenate([wa[:, None], wb[:, None]], axis=1)
    e_ref[...] = jnp.concatenate([a1[:, None], a2[:, None]], axis=1)


def _sc_gather(token_map, h2, n_pad):
    s, d_model = h2.shape
    info = plsc.get_sparse_core_info()
    nw = info.num_cores * info.num_subcores
    b_per_w = n_pad // nw
    n_chunks = b_per_w // SC_CHUNK
    mesh = plsc.VectorSubcoreMesh(core_axis_name="c", subcore_axis_name="s")

    @functools.partial(
        pl.kernel,
        mesh=mesh,
        out_type=jax.ShapeDtypeStruct((n_pad, d_model), jnp.float32),
        scratch_types=[
            pltpu.VMEM((b_per_w,), jnp.int32),
            pltpu.VMEM((SC_CHUNK, d_model), jnp.float32),
            pltpu.VMEM((SC_CHUNK, d_model), jnp.float32),
            pltpu.SemaphoreType.DMA,
            pltpu.SemaphoreType.DMA,
        ],
    )
    def gather_k(tm_hbm, h_hbm, x_hbm, idx_v, rows0, rows1, sem0, sem1):
        wid = lax.axis_index("s") * info.num_cores + lax.axis_index("c")
        base = wid * b_per_w
        pltpu.sync_copy(tm_hbm.at[pl.ds(base, b_per_w)], idx_v)
        bufs = (rows0, rows1)
        sems = (sem0, sem1)
        copies = [None] * n_chunks
        copies[0] = pltpu.async_copy(
            h_hbm.at[idx_v.at[pl.ds(0, SC_CHUNK)]], bufs[0], sems[0])
        for c in range(n_chunks):
            if c + 1 < n_chunks:
                copies[c + 1] = pltpu.async_copy(
                    h_hbm.at[idx_v.at[pl.ds((c + 1) * SC_CHUNK, SC_CHUNK)]],
                    bufs[(c + 1) % 2], sems[(c + 1) % 2])
            copies[c].wait()
            pltpu.sync_copy(bufs[c % 2],
                            x_hbm.at[pl.ds(base + c * SC_CHUNK, SC_CHUNK)])

    return gather_k(token_map, h2)


def _ffn_body(te_ref, tm_ref, h_ref, w1_ref, v1_ref, w2_ref, y_ref, x_scr):
    i = pl.program_id(0)
    expert = te_ref[i]

    @pl.when(expert >= 0)
    def _():
        def gather_row(r, carry):
            tok = tm_ref[i * ROW_TILE + r]
            x_scr[pl.ds(r, 1), :] = h_ref[pl.ds(tok, 1), :]
            return carry

        lax.fori_loop(0, ROW_TILE, gather_row, 0)
        x = x_scr[...]
        t1 = jnp.dot(x, w1_ref[0], preferred_element_type=jnp.float32)
        t2 = jnp.dot(x, v1_ref[0], preferred_element_type=jnp.float32)
        g = t1 * jax.nn.sigmoid(t1) * t2
        y_ref[...] = jnp.dot(g, w2_ref[0], preferred_element_type=jnp.float32)


def _combine_body(pa_ref, pb_ref, wab_ref, y_ref, out_ref, ya_scr, yb_scr):
    i = pl.program_id(0)

    def gather_row(r, carry):
        pa = pa_ref[i * ROW_TILE + r]
        pb = pb_ref[i * ROW_TILE + r]
        ya_scr[pl.ds(r, 1), :] = y_ref[pl.ds(pa, 1), :]
        yb_scr[pl.ds(r, 1), :] = y_ref[pl.ds(pb, 1), :]
        return carry

    lax.fori_loop(0, ROW_TILE, gather_row, 0)
    wa = wab_ref[:, 0:1]
    wb = wab_ref[:, 1:2]
    out_ref[...] = wa * ya_scr[...] + wb * yb_scr[...]


def kernel(hidden_states, w_router, w1, v1, w2):
    batch, seq, d_model = hidden_states.shape
    n_experts, _, ffn = w1.shape
    s = batch * seq
    top_k = 2
    n_assign = s * top_k
    n_tiles = n_assign // ROW_TILE + n_experts
    n_pad = n_tiles * ROW_TILE

    h2 = hidden_states.reshape(s, d_model)

    wab, eab = pl.pallas_call(
        _router_body,
        out_shape=(
            jax.ShapeDtypeStruct((s, top_k), jnp.float32),
            jax.ShapeDtypeStruct((s, top_k), jnp.int32),
        ),
    )(h2, w_router)

    e_flat = eab.reshape(-1)
    onehot = (e_flat[:, None] == jnp.arange(n_experts)[None, :]).astype(jnp.int32)
    cum = jnp.cumsum(onehot, axis=0)
    counts = cum[-1]
    rank = jnp.take_along_axis(cum, e_flat[:, None], axis=1)[:, 0] - 1
    tiles_per = (counts + ROW_TILE - 1) // ROW_TILE
    tile_start = jnp.concatenate([jnp.zeros((1,), jnp.int32),
                                  jnp.cumsum(tiles_per)[:-1].astype(jnp.int32)])
    pstart = tile_start * ROW_TILE
    slot = pstart[e_flat] + rank
    token_map = jnp.zeros((n_pad,), jnp.int32).at[slot].set(
        (jnp.arange(n_assign, dtype=jnp.int32) // top_k))
    total_tiles = tile_start[-1] + tiles_per[-1]
    tile_ids = jnp.arange(n_tiles, dtype=jnp.int32)
    tile_expert = jnp.searchsorted(tile_start, tile_ids, side="right").astype(jnp.int32) - 1
    tile_expert = jnp.where(tile_ids < total_tiles, tile_expert, -1)
    slot2 = slot.reshape(s, top_k)
    pa, pb = slot2[:, 0], slot2[:, 1]

    grid_spec = pltpu.PrefetchScalarGridSpec(
        num_scalar_prefetch=2,
        grid=(n_tiles,),
        in_specs=[
            pl.BlockSpec((s, d_model), lambda i, te, tm: (0, 0)),
            pl.BlockSpec((1, d_model, ffn),
                         lambda i, te, tm: (jnp.maximum(te[i], 0), 0, 0)),
            pl.BlockSpec((1, d_model, ffn),
                         lambda i, te, tm: (jnp.maximum(te[i], 0), 0, 0)),
            pl.BlockSpec((1, ffn, d_model),
                         lambda i, te, tm: (jnp.maximum(te[i], 0), 0, 0)),
        ],
        out_specs=pl.BlockSpec((ROW_TILE, d_model), lambda i, te, tm: (i, 0)),
        scratch_shapes=[pltpu.VMEM((ROW_TILE, d_model), jnp.float32)],
    )
    y = pl.pallas_call(
        _ffn_body,
        grid_spec=grid_spec,
        out_shape=jax.ShapeDtypeStruct((n_pad, d_model), jnp.float32),
        compiler_params=pltpu.CompilerParams(
            vmem_limit_bytes=100 * 1024 * 1024),
    )(tile_expert, token_map, h2, w1, v1, w2)
    return y

    comb_spec = pltpu.PrefetchScalarGridSpec(
        num_scalar_prefetch=2,
        grid=(s // ROW_TILE,),
        in_specs=[
            pl.BlockSpec((ROW_TILE, top_k), lambda i, pa_, pb_: (i, 0)),
            pl.BlockSpec((n_pad, d_model), lambda i, pa_, pb_: (0, 0)),
        ],
        out_specs=pl.BlockSpec((ROW_TILE, d_model), lambda i, pa_, pb_: (i, 0)),
        scratch_shapes=[
            pltpu.VMEM((ROW_TILE, d_model), jnp.float32),
            pltpu.VMEM((ROW_TILE, d_model), jnp.float32),
        ],
    )
    out = pl.pallas_call(
        _combine_body,
        grid_spec=comb_spec,
        out_shape=jax.ShapeDtypeStruct((s, d_model), jnp.float32),
        compiler_params=pltpu.CompilerParams(
            vmem_limit_bytes=100 * 1024 * 1024),
    )(pa, pb, wab, y)

    return out.reshape(batch, seq, d_model)

# --- scband reference (transcript-rebuilt; emitter-appended) ---
"""Pipeline reference for scband-databricks-experts-89833535963319 (READ-ONLY COPY).

The authoritative reference and input builder live on the scoring server;
editing this copy changes nothing except your own understanding.
"""

import jax, jax.numpy as jnp
import numpy as np

D_MODEL = 1024
FFN = 2048
E = 16
TOP_K = 2
B = 1
S = 2048


def setup_inputs(seed: int = 0) -> dict:
    key = jax.random.key(seed)
    ks = jax.random.split(key, 5)
    hidden_states = jax.random.normal(ks[0], (B, S, D_MODEL), dtype=jnp.float32)
    # router weight (ReplicatedLinear d_model -> E, no bias); stored [in, out]
    w_router = jax.random.normal(ks[1], (D_MODEL, E), dtype=jnp.float32) * (1.0 / np.sqrt(D_MODEL))
    # per-expert weights, stored [in, out]
    w1 = jax.random.normal(ks[2], (E, D_MODEL, FFN), dtype=jnp.float32) * (1.0 / np.sqrt(D_MODEL))
    v1 = jax.random.normal(ks[3], (E, D_MODEL, FFN), dtype=jnp.float32) * (1.0 / np.sqrt(D_MODEL))
    w2 = jax.random.normal(ks[4], (E, FFN, D_MODEL), dtype=jnp.float32) * (1.0 / np.sqrt(FFN))
    return {"hidden_states": hidden_states, "w_router": w_router, "w1": w1, "v1": v1, "w2": w2}


def _silu(x):
    return x * jax.nn.sigmoid(x)


def reference(hidden_states, w_router, w1, v1, w2):
    batch_size, sequence_length, hidden_size = hidden_states.shape
    h = hidden_states.reshape(-1, D_MODEL)
    # router
    router_logits = h @ w_router
    routing_weights = jax.nn.softmax(router_logits.astype(jnp.float32), axis=1)
    routing_weights, selected_experts = jax.lax.top_k(routing_weights, TOP_K)
    routing_weights = routing_weights / jnp.sum(routing_weights, axis=-1, keepdims=True)
    final_hidden_states = None
    for expert_idx in range(E):
        expert_mask = (selected_experts == expert_idx)
        expert_weights = jnp.sum(routing_weights * expert_mask, axis=-1, keepdims=True)
        w1_out = _silu(h @ w1[expert_idx])
        v1_out = h @ v1[expert_idx]
        current = (w1_out * v1_out) @ w2[expert_idx]
        current = current * expert_weights
        if final_hidden_states is None:
            final_hidden_states = current
        else:
            final_hidden_states = final_hidden_states + current
    return final_hidden_states.reshape(batch_size, sequence_length, hidden_size)

if __name__ == "__main__":
    import jax
    _d = setup_inputs()
    print(jax.jit(kernel)(*tuple(_d.values())))

</pallas_src>

<mosaic_0001>
module attributes {stable_mosaic.version = 14 : i64} {
  func.func @_router_body(%arg0: memref<2048x1024xf32, #tpu.memory_space<vmem>>, %arg1: memref<1024x16xf32, #tpu.memory_space<vmem>>, %arg2: memref<2048x2xf32, #tpu.memory_space<vmem>>, %arg3: memref<2048x2xi32, #tpu.memory_space<vmem>>) attributes {dimension_semantics = [], scalar_prefetch = 0 : i64, scratch_operands = 0 : i64, tpu.core_type = #tpu.core_type<tc>} {
    %get3A = arith.constant 0 : index
    %get3A_0 = arith.constant 0 : index
    %get3A_1 = vector.load %arg0[%get3A, %get3A_0] : memref<2048x1024xf32, #tpu.memory_space<vmem>>, vector<2048x1024xf32>
    %get3A_2 = arith.constant 0 : index
    %get3A_3 = arith.constant 0 : index
    %get3A_4 = vector.load %arg1[%get3A_2, %get3A_3] : memref<1024x16xf32, #tpu.memory_space<vmem>>, vector<1024x16xf32>
    %dot_general3A = arith.constant dense<0.000000e+00> : vector<2048x16xf32>
    %dot_general3A_5 = tpu.matmul %get3A_1, %get3A_4, %dot_general3A {dimension_numbers = #tpu.dot_dimension_numbers<[1], [0], [0], [1], [0, 0, 1, 1], [], []>, transpose_lhs_hint = false} : vector<2048x1024xf32>, vector<1024x16xf32>, vector<2048x16xf32> -> vector<2048x16xf32>
    %iota3A = tpu.iota {dimensions = array<i32: 1>} : vector<2048x16xi32>
    %argmax3A = tpu.reduce_index %dot_general3A_5 {axis = 1 : i32, kind = #tpu.reduction_kind<arg_max>} : vector<2048x16xf32> -> vector<2048xi32>
    %reduce_max3A = arith.constant dense<0xFF800000> : vector<2048xf32>
    %reduce_max3A_6 = vector.multi_reduction <maximumf>, %dot_general3A_5, %reduce_max3A [1] : vector<2048x16xf32> to vector<2048xf32>
    %broadcast_in_dim3A = vector.shape_cast %argmax3A : vector<2048xi32> to vector<2048x1xi32>
    %eq3A = vector.broadcast %broadcast_in_dim3A : vector<2048x1xi32> to vector<2048x16xi32>
    %eq3A_7 = arith.cmpi eq, %iota3A, %eq3A : vector<2048x16xi32>
    %jit3A = arith.constant 0xFF800000 : f32
    %broadcast_in_dim3A_8 = vector.broadcast %jit3A : f32 to vector<2048x16xf32>
    %select_n3A = arith.select %eq3A_7, %broadcast_in_dim3A_8, %dot_general3A_5 : vector<2048x16xi1>, vector<2048x16xf32>
    %argmax3A_9 = tpu.reduce_index %select_n3A {axis = 1 : i32, kind = #tpu.reduction_kind<arg_max>} : vector<2048x16xf32> -> vector<2048xi32>
    %reduce_max3A_10 = arith.constant dense<0xFF800000> : vector<2048xf32>
    %reduce_max3A_11 = vector.multi_reduction <maximumf>, %select_n3A, %reduce_max3A_10 [1] : vector<2048x16xf32> to vector<2048xf32>
    %sub3A = arith.subf %reduce_max3A_11, %reduce_max3A_6 : vector<2048xf32>
    %exp3A = math.exp %sub3A : vector<2048xf32>
    %add3A = arith.constant 1.000000e+00 : f32
    %add3A_12 = vector.broadcast %add3A : f32 to vector<2048xf32>
    %add3A_13 = arith.addf %add3A_12, %exp3A : vector<2048xf32>
    %div3A = arith.constant 1.000000e+00 : f32
    %div3A_14 = vector.broadcast %div3A : f32 to vector<2048xf32>
    %div3A_15 = arith.divf %div3A_14, %add3A_13 : vector<2048xf32>
    %sub3A_16 = arith.constant 1.000000e+00 : f32
    %sub3A_17 = vector.broadcast %sub3A_16 : f32 to vector<2048xf32>
    %sub3A_18 = arith.subf %sub3A_17, %div3A_15 : vector<2048xf32>
    %broadcast_in_dim3A_19 = vector.shape_cast %div3A_15 : vector<2048xf32> to vector<2048x1xf32>
    %broadcast_in_dim3A_20 = vector.shape_cast %sub3A_18 : vector<2048xf32> to vector<2048x1xf32>
    %concatenate3A = tpu.concatenate %broadcast_in_dim3A_19, %broadcast_in_dim3A_20 in 1 : vector<2048x1xf32>, vector<2048x1xf32> -> vector<2048x2xf32>
    %swap3A = arith.constant 0 : index
    %swap3A_21 = arith.constant 0 : index
    %swap3A_22 = vector.load %arg2[%swap3A, %swap3A_21] : memref<2048x2xf32, #tpu.memory_space<vmem>>, vector<2048x2xf32>
    tpu.vector_store %arg2[%swap3A, %swap3A_21], %concatenate3A {strides = array<i32>} : memref<2048x2xf32, #tpu.memory_space<vmem>>, vector<2048x2xf32>,
    %broadcast_in_dim3A_23 = vector.shape_cast %argmax3A : vector<2048xi32> to vector<2048x1xi32>
    %broadcast_in_dim3A_24 = vector.shape_cast %argmax3A_9 : vector<2048xi32> to vector<2048x1xi32>
    %concatenate3A_25 = tpu.concatenate %broadcast_in_dim3A_23, %broadcast_in_dim3A_24 in 1 : vector<2048x1xi32>, vector<2048x1xi32> -> vector<2048x2xi32>
    %swap3A_26 = arith.constant 0 : index
    %swap3A_27 = arith.constant 0 : index
    %swap3A_28 = vector.load %arg3[%swap3A_26, %swap3A_27] : memref<2048x2xi32, #tpu.memory_space<vmem>>, vector<2048x2xi32>
    tpu.vector_store %arg3[%swap3A_26, %swap3A_27], %concatenate3A_25 {strides = array<i32>} : memref<2048x2xi32, #tpu.memory_space<vmem>>, vector<2048x2xi32>,
    return
  }
}

module attributes {stable_mosaic.version = 14 : i64} {
  func.func @_ffn_body(%arg0: i32, %arg1: memref<48xi32, #tpu.memory_space<smem>>, %arg2: memref<6144xi32, #tpu.memory_space<smem>>, %arg3: memref<2048x1024xf32, #tpu.memory_space<vmem>>, %arg4: memref<1x1024x2048xf32, #tpu.memory_space<vmem>>, %arg5: memref<1x1024x2048xf32, #tpu.memory_space<vmem>>, %arg6: memref<1x2048x1024xf32, #tpu.memory_space<vmem>>, %arg7: memref<128x1024xf32, #tpu.memory_space<vmem>>, %arg8: memref<128x1024xf32, #tpu.memory_space<vmem>>) attributes {dimension_semantics = [#tpu.dimension_semantics<arbitrary>], iteration_bounds = array<i64: 48>, scalar_prefetch = 2 : i64, scratch_operands = 1 : i64, tpu.core_type = #tpu.core_type<tc>, window_params = [{pipeline_mode = #tpu.pipeline_mode<synchronous>, transform_indices = @transform_0, window_bounds = array<i64: 2048, 1024>}, {transform_indices = @transform_1, window_bounds = array<i64: 1, 1024, 2048>}, {transform_indices = @transform_2, window_bounds = array<i64: 1, 1024, 2048>}, {transform_indices = @transform_3, window_bounds = array<i64: 1, 2048, 1024>}, {transform_indices = @transform_4, window_bounds = array<i64: 128, 1024>}]} {
    %get3A = arith.index_cast %arg0 : i32 to index
    %get3A_0 = memref.load %arg1[%get3A] : memref<48xi32, #tpu.memory_space<smem>>
    %ge3A = arith.constant 0 : i32
    %ge3A_1 = arith.cmpi sge, %get3A_0, %ge3A : i32
    %convert_element_type3A = arith.extui %ge3A_1 : i1 to i32
    %cond3A = arith.constant 0 : i32
    %cond3A_2 = arith.cmpi ne, %convert_element_type3A, %cond3A : i32
    scf.if %cond3A_2 {
      %scan3A = arith.constant 0 : i32
      %scan3A_3 = arith.constant 128 : i32
      %scan3A_4 = arith.addi %scan3A, %scan3A_3 : i32
      %scan3A_5 = arith.constant 1 : i32
      scf.for %scan3A_38 = %scan3A to %scan3A_4 step %scan3A_5  : i32 {
        %mul3A_39 = arith.constant 128 : i32
        %mul3A_40 = arith.muli %arg0, %mul3A_39 : i32
        %add3A = arith.addi %mul3A_40, %scan3A_38 : i32
        %get3A_41 = arith.index_cast %add3A : i32 to index
        %get3A_42 = memref.load %arg2[%get3A_41] : memref<6144xi32, #tpu.memory_space<smem>>
        %get3A_43 = arith.index_cast %get3A_42 : i32 to index
        %get3A_44 = arith.constant 0 : index
        %get3A_45 = vector.load %arg3[%get3A_43, %get3A_44] : memref<2048x1024xf32, #tpu.memory_space<vmem>>, vector<1x1024xf32>
        %swap3A_46 = arith.index_cast %scan3A_38 : i32 to index
        %swap3A_47 = arith.constant 0 : index
        %swap3A_48 = vector.load %arg8[%swap3A_46, %swap3A_47] : memref<128x1024xf32, #tpu.memory_space<vmem>>, vector<1x1024xf32>
        tpu.vector_store %arg8[%swap3A_46, %swap3A_47], %get3A_45 {strides = array<i32>} : memref<128x1024xf32, #tpu.memory_space<vmem>>, vector<1x1024xf32>,
      }
      %scan3A_6 = arith.constant 128 : i32
      %get3A_7 = arith.constant 0 : index
      %get3A_8 = arith.constant 0 : index
      %get3A_9 = vector.load %arg8[%get3A_7, %get3A_8] : memref<128x1024xf32, #tpu.memory_space<vmem>>, vector<128x1024xf32>
      %get3A_10 = arith.constant 0 : index
      %get3A_11 = arith.constant 0 : index
      %get3A_12 = arith.constant 0 : index
      %get3A_13 = vector.load %arg4[%get3A_10, %get3A_11, %get3A_12] : memref<1x1024x2048xf32, #tpu.memory_space<vmem>>, vector<1x1024x2048xf32>
      %get3A_14 = vector.shape_cast %get3A_13 : vector<1x1024x2048xf32> to vector<1024x2048xf32>
      %dot_general3A = arith.constant dense<0.000000e+00> : vector<128x2048xf32>
      %dot_general3A_15 = tpu.matmul %get3A_9, %get3A_14, %dot_general3A {dimension_numbers = #tpu.dot_dimension_numbers<[1], [0], [0], [1], [0, 0, 1, 1], [], []>, transpose_lhs_hint = false} : vector<128x1024xf32>, vector<1024x2048xf32>, vector<128x2048xf32> -> vector<128x2048xf32>
      %get3A_16 = arith.constant 0 : index
      %get3A_17 = arith.constant 0 : index
      %get3A_18 = arith.constant 0 : index
      %get3A_19 = vector.load %arg5[%get3A_16, %get3A_17, %get3A_18] : memref<1x1024x2048xf32, #tpu.memory_space<vmem>>, vector<1x1024x2048xf32>
      %get3A_20 = vector.shape_cast %get3A_19 : vector<1x1024x2048xf32> to vector<1024x2048xf32>
      %dot_general3A_21 = arith.constant dense<0.000000e+00> : vector<128x2048xf32>
      %dot_general3A_22 = tpu.matmul %get3A_9, %get3A_20, %dot_general3A_21 {dimension_numbers = #tpu.dot_dimension_numbers<[1], [0], [0], [1], [0, 0, 1, 1], [], []>, transpose_lhs_hint = false} : vector<128x1024xf32>, vector<1024x2048xf32>, vector<128x2048xf32> -> vector<128x2048xf32>
      %logistic3A = arith.negf %dot_general3A_15 : vector<128x2048xf32>
      %logistic3A_23 = math.exp %logistic3A : vector<128x2048xf32>
      %logistic3A_24 = arith.constant 1.000000e+00 : f32
      %logistic3A_25 = vector.broadcast %logistic3A_24 : f32 to vector<128x2048xf32>
      %logistic3A_26 = arith.addf %logistic3A_25, %logistic3A_23 : vector<128x2048xf32>
      %logistic3A_27 = arith.divf %logistic3A_25, %logistic3A_26 : vector<128x2048xf32>
      %mul3A = arith.mulf %dot_general3A_15, %logistic3A_27 : vector<128x2048xf32>
      %mul3A_28 = arith.mulf %mul3A, %dot_general3A_22 : vector<128x2048xf32>
      %get3A_29 = arith.constant 0 : index
      %get3A_30 = arith.constant 0 : index
      %get3A_31 = arith.constant 0 : index
      %get3A_32 = vector.load %arg6[%get3A_29, %get3A_30, %get3A_31] : memref<1x2048x1024xf32, #tpu.memory_space<vmem>>, vector<1x2048x1024xf32>
      %get3A_33 = vector.shape_cast %get3A_32 : vector<1x2048x1024xf32> to vector<2048x1024xf32>
      %dot_general3A_34 = arith.constant dense<0.000000e+00> : vector<128x1024xf32>
      %dot_general3A_35 = tpu.matmul %mul3A_28, %get3A_33, %dot_general3A_34 {dimension_numbers = #tpu.dot_dimension_numbers<[1], [0], [0], [1], [0, 0, 1, 1], [], []>, transpose_lhs_hint = false} : vector<128x2048xf32>, vector<2048x1024xf32>, vector<128x1024xf32> -> vector<128x1024xf32>
      %swap3A = arith.constant 0 : index
      %swap3A_36 = arith.constant 0 : index
      %swap3A_37 = vector.load %arg7[%swap3A, %swap3A_36] : memref<128x1024xf32, #tpu.memory_space<vmem>>, vector<128x1024xf32>
      tpu.vector_store %arg7[%swap3A, %swap3A_36], %dot_general3A_35 {strides = array<i32>} : memref<128x1024xf32, #tpu.memory_space<vmem>>, vector<128x1024xf32>,
    } else {
    }
    return
  }
  func.func @transform_0(%arg0: i32, %arg1: memref<48xi32, #tpu.memory_space<smem>>, %arg2: memref<6144xi32, #tpu.memory_space<smem>>) -> (i32, i32) {
    %c0_i32 = arith.constant 0 : i32
    %c0_i32_0 = arith.constant 0 : i32
    %c0_i32_1 = arith.constant 0 : i32
    return %c0_i32, %c0_i32_0 : i32, i32
  }
  func.func @transform_1(%arg0: i32, %arg1: memref<48xi32, #tpu.memory_space<smem>>, %arg2: memref<6144xi32, #tpu.memory_space<smem>>) -> (i32, i32, i32) {
    %get3A = arith.index_cast %arg0 : i32 to index
    %get3A_0 = memref.load %arg1[%get3A] : memref<48xi32, #tpu.memory_space<smem>>
    %max3A = arith.constant 0 : i32
    %max3A_1 = arith.maxsi %get3A_0, %max3A : i32
    %c0_i32 = arith.constant 0 : i32
    %c0_i32_2 = arith.constant 0 : i32
    %c0_i32_3 = arith.constant 0 : i32
    return %max3A_1, %c0_i32, %c0_i32_2 : i32, i32, i32
  }
  func.func @transform_2(%arg0: i32, %arg1: memref<48xi32, #tpu.memory_space<smem>>, %arg2: memref<6144xi32, #tpu.memory_space<smem>>) -> (i32, i32, i32) {
    %get3A = arith.index_cast %arg0 : i32 to index
    %get3A_0 = memref.load %arg1[%get3A] : memref<48xi32, #tpu.memory_space<smem>>
    %max3A = arith.constant 0 : i32
    %max3A_1 = arith.maxsi %get3A_0, %max3A : i32
    %c0_i32 = arith.constant 0 : i32
    %c0_i32_2 = arith.constant 0 : i32
    %c0_i32_3 = arith.constant 0 : i32
    return %max3A_1, %c0_i32, %c0_i32_2 : i32, i32, i32
  }
  func.func @transform_3(%arg0: i32, %arg1: memref<48xi32, #tpu.memory_space<smem>>, %arg2: memref<6144xi32, #tpu.memory_space<smem>>) -> (i32, i32, i32) {
    %get3A = arith.index_cast %arg0 : i32 to index
    %get3A_0 = memref.load %arg1[%get3A] : memref<48xi32, #tpu.memory_space<smem>>
    %max3A = arith.constant 0 : i32
    %max3A_1 = arith.maxsi %get3A_0, %max3A : i32
    %c0_i32 = arith.constant 0 : i32
    %c0_i32_2 = arith.constant 0 : i32
    %c0_i32_3 = arith.constant 0 : i32
    return %max3A_1, %c0_i32, %c0_i32_2 : i32, i32, i32
  }
  func.func @transform_4(%arg0: i32, %arg1: memref<48xi32, #tpu.memory_space<smem>>, %arg2: memref<6144xi32, #tpu.memory_space<smem>>) -> (i32, i32) {
    %c0_i32 = arith.constant 0 : i32
    %c0_i32_0 = arith.constant 0 : i32
    return %arg0, %c0_i32 : i32, i32
  }
}

</mosaic_0001>

<sc_bundles>
// kernel: gather_offload_async_start
scs
__scs_entry_jumppad:
0x0: {  	(pc) =	sbr.rel $0x88, $3  }
0x1: {  	(tag) =	ssettag $0x0;
	lr =	simm.s32 $0x1  }
0x2: {  	[smem:$0x3F9C] =	sst lr;
	_ =	strace $0xD0000000  }
0x3: {  	_ = 	snop  }
0x4: {  	_ = 	snop  }
0x5: {  	_ = 	snop  }
0x6: {  	_ = 	snop  }
0x7: {  	_ = 	snop  }
__scs_overlays_trampoline_lowered:
0x8: {  	[smem:$0x3FAB] =	sst s0  }
0x9: {  	[smem:$0x3FAC] =	sst s1  }
0xa: {  	[smem:$0x3FAD] =	sst s2  }
0xb: {  	[smem:$0x3FAE] =	sst s3  }
0xc: {  	[smem:$0x3FAF] =	sst s4  }
0xd: {  	[smem:$0x3FB0] =	sst s5  }
0xe: {  	[smem:$0x3FB1] =	sst s6  }
0xf: {  	[smem:$0x3FB2] =	sst s7  }
0x10: {  	[smem:$0x3FB3] =	sst s8  }
0x11: {  	[smem:$0x3FB4] =	sst s9;
	s0 =	simm.s32 @!p0 $0x0  }
0x12: {  	s1 =	sld [smem:$0x3F9A];
	s0 =	simm.s32 @p0 $0x1  }
0x13: {  	[smem:$0x3FB5] =	sst s0;
	s0 =	simm.s32 @!p1 $0x0  }
0x14: {  	s2 =	sld [smem:$0x3F99];
	s0 =	simm.s32 @p1 $0x1  }
0x15: {  	[smem:$0x3FB6] =	sst s0;
	s0 =	simm.s32 @!p2 $0x0  }
0x16: {  	s3 =	sld [smem:$0x3FDB];
	s0 =	simm.s32 @p2 $0x1  }
0x17: {  	s4 =	simm.s32 $0x1BF5;
	[smem:$0x3FB8] =	sst s0  }
0x18: {  	s0 =	sld [smem:$0x3F9B];
	_ =	swait.ge [sflag:s4], $0x0  }
0x19: {  	s7 =	sld [smem:$0x3F9C]  }
0x1a: {  	s8 =	sadd.s32 $0xFFFFE003, lr  }
0x1b: {  	s9 =	sadd.s32 $0xFFFFFEF7, lr;
	s5 =	simm.s32 $0xFFFFFFFF;
	p2 =	slt.u32 s8, $0xFFFFF086  }
0x1c: {  	p1 =	slt.u32 s9, $0xF7A;
	s5 =	simm.s32 @!p2 $0x0  }
0x1d: {  	s5 =	simm.s32 @p1 $0x1;
	p0 =	seq.s32 s7, s2  }
0x1e: {  	s7 =	smul.u32 @!p0 $0xF7A, s2;
	p2 =	seq.s32 @!p0 s5, $0x0  }
0x1f: {  	s9 =	smul.u32 $0xF7A, s1;
	s8 =	simm.s32 @!p0 $0x1BF5;
	p2 =	por !p2, p0  }
0x20: {  	[sflag:s8] =	ssyncset.s32 @!p0 $0xFFFFF086;
	s6 =	sadd.s32 @!p0 s3, s7;
	s7 =	simm.s32 @!p0 $0x108  }
0x21: {  	s3 =	sadd.s32 s3, s9;
	s6 =	sadd.s32 @!p0 $0x88, s6;
	s7 =	simm.s32 @p2 $0x1082  }
0x22: {  	[simem:s7], [sflag:s8] =	dma.local @!p0 [hbm:s6], $0xF7A  }
0x23: {  	s9 =	sor.u32 $0xD0000000, s2;
	s6 =	simm.s32 $0x108;
	_ =	swait.ge @!p0 [sflag:s8], $0x0  }
0x24: {  	s3 =	sadd.s32 $0x88, s3;
	s6 =	simm.s32 @!p1 $0x1082;
	[sflag:s4] =	ssyncset.s32 $0xFFFFF086  }
0x25: {  	[simem:s6], [sflag:s4] =	dma.local [hbm:s3], $0xF7A  }
0x26: {  	[smem:$0x3F9C] =	sst s1;
	(tag) =	ssettag s2;
	_ =	strace s9  }
0x27: {  	s1 =	sld [smem:$0x3FAC]  }
0x28: {  	s2 =	sld [smem:$0x3FAD]  }
0x29: {  	s4 =	sld [smem:$0x3FAF]  }
0x2a: {  	p0 =	seq.s32 s5, $0x0;
	s5 =	sld [smem:$0x3FB0]  }
0x2b: {  	s6 =	sld [smem:$0x3FB1]  }
0x2c: {  	s7 =	sld [smem:$0x3FB2]  }
0x2d: {  	s3 =	simm.s32 $0x108;
	s8 =	sld [smem:$0x3FB3]  }
0x2e: {  	s3 =	simm.s32 @!p0 $0x1082;
	s9 =	sld [smem:$0x3FB4]  }
0x2f: {  	lr =	sadd.s32 s0, s3;
	s0 =	sld [smem:$0x3FAB]  }
0x30: {  	s3 =	sld [smem:$0x3FAE]  }
0x31: {  	[smem:$0x3FB7] =	sst s10  }
0x32: {  	s10 =	sld [smem:$0x3FB5];
	_ =	sdelay $0x3  }
0x33: {  	p0 =	seq.s32 s10, $0x1;
	s10 =	sld [smem:$0x3FB7];
	_ =	sdelay $0x3  }
0x34: {  	[smem:$0x3FB7] =	sst s10  }
0x35: {  	s10 =	sld [smem:$0x3FB6];
	_ =	sdelay $0x3  }
0x36: {  	p1 =	seq.s32 s10, $0x1;
	s10 =	sld [smem:$0x3FB7];
	_ =	sdelay $0x3  }
0x37: {  	[smem:$0x3FB7] =	sst s10  }
0x38: {  	s10 =	sld [smem:$0x3FB8]  }
0x39: {  	_ = 	snop;
	(pc) =	sbr.ind lr, $3  }
0x3a: {  	_ = 	snop  }
0x3b: {  	_ = 	snop  }
0x3c: {  	p2 =	seq.s32 s10, $0x1;
	s10 =	sld [smem:$0x3FB7]  }
0x3d: {  	_ =	shalt  }
0x3e: {  	_ =	shalt  }
0x3f: {  	_ =	shalt  }
0x40: {  	_ =	shalt  }
0x41: {  	_ =	shalt  }
0x42: {  	_ =	shalt  }
0x43: {  	_ =	shalt  }
0x44: {  	_ =	shalt  }
0x45: {  	_ =	shalt  }
0x46: {  	_ =	shalt  }
0x47: {  	_ =	shalt  }
0x48: {  	_ =	shalt  }
0x49: {  	_ =	shalt  }
0x4a: {  	_ =	shalt  }
0x4b: {  	_ =	shalt  }
0x4c: {  	_ =	shalt  }
0x4d: {  	_ =	shalt  }
0x4e: {  	_ =	shalt  }
0x4f: {  	_ =	shalt  }
0x50: {  	_ =	shalt  }
0x51: {  	_ =	shalt  }
0x52: {  	_ =	shalt  }
0x53: {  	_ =	shalt  }
0x54: {  	_ =	shalt  }
0x55: {  	_ =	shalt  }
0x56: {  	_ =	shalt  }
0x57: {  	_ =	shalt  }
0x58: {  	_ =	shalt  }
0x59: {  	_ =	shalt  }
0x5a: {  	_ =	shalt  }
0x5b: {  	_ =	shalt  }
0x5c: {  	_ =	shalt  }
0x5d: {  	_ =	shalt  }
0x5e: {  	_ =	shalt  }
0x5f: {  	_ =	shalt  }
0x60: {  	_ =	shalt  }
0x61: {  	_ =	shalt  }
0x62: {  	_ =	shalt  }
0x63: {  	_ =	shalt  }
0x64: {  	_ =	shalt  }
0x65: {  	_ =	shalt  }
0x66: {  	_ =	shalt  }
0x67: {  	_ =	shalt  }
0x68: {  	_ =	shalt  }
0x69: {  	_ =	shalt  }
0x6a: {  	_ =	shalt  }
0x6b: {  	_ =	shalt  }
0x6c: {  	_ =	shalt  }
0x6d: {  	_ =	shalt  }
0x6e: {  	_ =	shalt  }
0x6f: {  	_ =	shalt  }
0x70: {  	_ =	shalt  }
0x71: {  	_ =	shalt  }
0x72: {  	_ =	shalt  }
0x73: {  	_ =	shalt  }
0x74: {  	_ =	shalt  }
0x75: {  	_ =	shalt  }
0x76: {  	_ =	shalt  }
0x77: {  	_ =	shalt  }
0x78: {  	_ =	shalt  }
0x79: {  	_ =	shalt  }
0x7a: {  	_ =	shalt  }
0x7b: {  	_ =	shalt  }
0x7c: {  	_ =	shalt  }
0x7d: {  	_ =	shalt  }
0x7e: {  	_ =	shalt  }
0x7f: {  	_ =	shalt  }
0x80: {  	_ =	shalt  }
0x81: {  	_ =	shalt  }
0x82: {  	_ =	shalt  }
0x83: {  	_ =	shalt  }
0x84: {  	_ =	shalt  }
0x85: {  	_ =	shalt  }
0x86: {  	_ =	shalt  }
0x87: {  	_ =	shalt  }
.Lfunc_end0:
.L_simem_size_0:
called_computation_lowered:
.L_overlay_start_0:
0x88: {  	s2 =	sld [smem:$0x3FD9]  }
0x89: {  	s3 =	sld [smem:$0x3FFE];
	_ =	sdelay $0x1  }
0x8a: {  	s1 =	srdreg.scid  }
0x8b: {  	s0 =	sand.u32 $0x1, s1  }
0x8c: {  	s17 =	sshll.u32 s0, $0xA;
	s2 =	sadd.s32 s3, s2  }
0x8d: {  	s2 =	sadd.s32 s2, s17  }
0x8e: {  	[smem:$0x3FC3] =	sst s2  }
0x8f: {  	_ = 	snop  }
0x90: {  	s2 =	sld [smem:$0x3FD0];
	(tm) =	ssettm $0x1  }
0x91: {  	s18 =	sld [smem:$0x3FFB];
	_ =	sdelay $0x3  }
0x92: {  	_ =	strace s18  }
0x93: {  	s3 =	sld [smem:$0x3FFC];
	_ =	sdelay $0x3  }
0x94: {  	_ =	strace s3  }
0x95: {  	s3 =	sld [smem:$0x3FFD];
	_ =	sdelay $0x3  }
0x96: {  	_ =	strace s3  }
0x97: {  	_ =	strace $0x8FFFFFFF  }
0x98: {  	s19 =	sld [smem:$0x3FDB];
	_ =	sdelay $0x1  }
0x99: {  	s4 =	simm.s32 $_scs_section_size  }
0x9a: {  	s5 =	simm.s32 $_size__tile_overlayer_lowered;
	s6 =	simm.s32 $_tile_overlayer_lowered  }
0x9b: {  	s22 =	simm.s32 $0x1BFF;
	s21 =	sshll.u32 s6, $0x1;
	s3 =	sadd.s32 s4, s19  }
0x9c: {  	s7 =	simm.s32 $0x0;
	s20 =	sshll.u32 s5, $0x1;
	s5 =	sadd.s32 s21, s3  }
0x9d: {  	[timem:s7], [sflag:s22] =	dma.local [hbm:s5], s20  }
0x9e: {  	_ =	swait.ge [sflag:s22], s20  }
0x9f: {  	s4 =	ssub.s32 $0x0, s20;
	[sflag:s22] =	ssyncset.done $0x0  }
0xa0: {  	[sflag:s22] =	ssyncadd.s32 s4;
	_ =	sdelay $0x1  }
0xa1: {  	s23 =	simm.s32 $0x1B8B  }
0xa2: {  	_ =	swait.ge [sflag:s23], $0x1  }
0xa3: {  	[sflag:s23] =	ssyncset.done $0x0  }
0xa4: {  	s25 =	simm.s32 $0x1B8E;
	s24 =	sld [smem:$0x3FFE];
	[sflag:s23] =	ssyncadd.s32 $0xFFFFFFFF  }
0xa5: {  	s26 =	simm.s32 $execute0_lowered;
	[smem:$0x3FD2] =	sst s25  }
0xa6: {  	s5 =	sshll.u32 s26, $0x1;
	_ =	strace $0x80000046;
	[dreg:$0x1] =	wrdreg $0xFFFFFFFF  }
0xa7: {  	s28 =	simm.s32 $_size_execute0_lowered;
	s3 =	sadd.s32 s3, s5;
	[dreg:$0x0] =	wrdreg $0x0  }
0xa8: {  	s5 =	sshll.u32 s28, $0x1;
	[dreg:$0x2] =	wrdreg s3  }
0xa9: {  	[dreg:$0x3] =	wrdreg s5  }
0xaa: {  	[dreg:$0x4] =	wrdreg $0xC0  }
0xab: {  	_ =	task [dreg:s7], $0x5FFFF  }
0xac: {  	[dreg:$0x1] =	wrdreg $0xFFFFFFFF  }
0xad: {  	[dreg:$0x0] =	wrdreg $0x60  }
0xae: {  	[dreg:$0x2] =	wrdreg s2  }
0xaf: {  	[dreg:$0x3] =	wrdreg s24  }
0xb0: {  	[dreg:$0x4] =	wrdreg $0x9  }
0xb1: {  	_ =	task.clear_ibuf [dreg:s7], $0x5FFFF;
	_ =	strace $0x90000046  }
0xb2: {  	s29 =	simm.s32 $0x9;
	_ =	strace $0x80000048  }
0xb3: {  	_ =	swait.ge [sflag:s29], $0x1  }
0xb4: {  	[sflag:s29] =	ssyncadd.s32 $0xFFFFFFFF  }
0xb5: {  	_ =	strace $0x90000048  }
0xb6: {  	_ =	sfence  }
0xb7: {  	s30 =	sld [smem:$0x0];
	_ =	sdelay $0x2  }
0xb8: {  	s31 =	sshll.u32 s1, $0xD;
	s1 =	sshrl.u32 s1, $0x2  }
0xb9: {  	s3 =	sand.u32 $0x4000, s31;
	s1 =	sadd.s32 s1, s30  }
0xba: {  	s0 =	sor.u32 s3, s0;
	s1 =	sshll.u32 s1, $0x11  }
0xbb: {  	s0 =	sor.u32 s1, s0  }
0xbc: {  	s0 =	sadd.s32 $0x8F2B, s0  }
0xbd: {  	[sflag:s0] =	ssyncadd.remote.s32 $0x1  }
0xbe: {  	_ =	sfence.sel $0xFFFF  }
0xbf: {  	[dreg:$0x0] =	wrdreg $0xFFFFFFFF;
	(pc) =	sbr.abs _section_cstart, $3  }
0xc0: {  	[dreg:$0x1] =	wrdreg $0xFFFFFFFF  }
0xc1: {  	_ =	task.clear_ibuf [dreg:s7], $0x2FFFF;
	_ =	strace $0x9FFFFFFF  }
0xc2: {  	(tm) =	ssettm $0x7FFFFFFF  }
0xc3: {  	_ =	shalt  }
tec
execute0_lowered:
.L_overlay_start_1:
0x0: {  	(tag) =	ssettag $0x1  }
0x1: {  	s1 =	srdreg.scid;
	s2 =	rddreg [dreg:$0x0]  }
0x2: {  	s0 =	stileid.u32;
	s5 =	rddreg [dreg:$0x1];
	s6 =	simm.s32 $0x1  }
0x3: {  	s9 =	simm.s32 $0x1;
	s10 =	simm.s32 $0x3;
	s1 =	sshll.u32 s1, $0x6  }
0x4: {  	s13 =	simm.s32 $0x0;
	s3 =	sshll.u32 s0, $0x7;
	s4 =	sand.u32 $0x40, s1  }
0x5: {  	s12 =	simm.s32 $0x0;
	s1 =	rddreg [dreg:$0x2];
	s3 =	sor.u32 s3, s4  }
0x6: {  	_ =	strace $0x80000047;
	s4 =	sadd.s32 $0x200, s5;
	s8 =	ssub.s32 $0x1000, s3  }
.Ltmp0:
0x7: {  	s5 =	sadd.s32 $0x400, s5;
	s7 =	sand.u32 $0x7C0, s8;
	(pc) =	sbr.rel .LBB2_1-.Ltmp0, $4  }
0x8: {  	[sflag:s6] =	ssyncpa.u1 $0x0;
	s11 =	smov.u32 s3;
	p0 =	sne.s32 s7, $0x0  }
0x9: {  	s8 =	sshrl.u32 s8, $0xB;
	s7 =	simm.s32 $0x2;
	s9 =	simm.s32 @!p0 $0x0  }
0xa: {  	[sflag:s7] =	ssyncpa.u1 $0x0;
	p0 =	por $0x0, $0x0;
	s8 =	sadd.s32 s9, s8  }
0xb: {  	vm0 =	vmmov $0xffff;
	[sflag:s10] =	ssyncpa.u1 $0x0;
	s10 =	simm.s32 $0x0;
	s9 =	sadd.s32 $0x1, s8  }
.LBB2_4:
0xc: {  	v5 =	vshrl.u32 v1, $0xC;
	v6 =	vshll.u32 v1, $0x7  }
0xd: {  	vm1 =	veq.s32 v1, $0x80000000;
	v58 =	vand.u32 $0xF, v5;
	v59 =	vand.u32 $0x7FF80, v6  }
0xe: {  	v1 =	vsel vm1, $0xFFFFFFFF, v58;
	v5 =	vsel vm1, $0xFFFFFF80, v59  }
0xf: {  	v3 =	vor.u32 v4, v3;
	v60 =	vand.u32 $0xFFFFFC00, v5;
	v61 =	vand.u32 $0xFFFFFC00, v1  }
0x10: {  	v2 =	vor.u32 v2, v3;
	v63 =	vand.u32 $0x380, v5;
	v62 =	vadd.s32 v61, v60  }
0x11: {  	v1 =	vand.u32 $0x7F, v1;
	v3 =	vor.u32 v63, v62  }
0x12: {  	v1 =	vor.u32 v1, v3  }
0x13: {  	[tilespmem:s15], [sflag:$0x1] =	stream.indirect_vreg.gather [hbm4b:s2+s10], $0x1, v0, vm0, $0x4038;
	[tilespmem:$0x100] =	vst v63  }
0x14: {  	(ifvalue) =	ssetifvalue $0x7FFFFFFF  }
0x15: {  	[tilespmem:s16], [sflag:$0x1] =	stream.indirect_vreg.gather [hbm4b:s2+s10], $0x1, v2, vm0, $0x4038;
	[tilespmem:$0x100] =	vst v63  }
0x16: {  	s29 =	sadd.s32 $0x10, s16;
	(ifvalue) =	ssetifvalue $0x7FFFFFFF  }
0x17: {  	[tilespmem:s29], [sflag:$0x1] =	stream.indirect_vreg.gather [hbm4b:s2+s10], $0x1, v1, vm0, $0x4038;
	[tilespmem:$0x100] =	vst v63  }
0x18: {  	_ =	swait.ge [sflag:s6], $0x40  }
0x19: {  	s30 =	sshrl.u32 s13, $0x3;
	[sflag:s6] =	ssyncset.done $0x0  }
0x1a: {  	s31 =	sand.u32 $0x7, s13;
	s15 =	sadd.s32 s5, s30;
	[sflag:s6] =	ssyncadd.s32 $0xFFFFFFC0  }
0x1b: {  	[hbm4b:s15+s31] =	stream.linear.scatter [tilespmem:s14], [sflag:$0x3], $0x40, $0x38;
	[tilespmem:$0x100] =	vst v63  }
.LBB2_5:
0x1c: {  	s15 =	sadd.s32 $0x800, s11  }
0x1d: {  	p2 =	sgt.s32 s15, $0xFFF  }
0x1e: {  	s15 =	smov.u32 @p2 s3;
	p2 =	sne.s32 s12, s9  }
.Ltmp1:
0x1f: {  	p1 =	slt.u32 s12, $0x2;
	(pc) =	sbr.rel @!p2 .LBB2_6-.Ltmp1, $4  }
0x20: {  	s14 =	simm.s32 @!p1 $0x3  }
0x21: {  	s16 =	sadd.s32 $0x1, s12;
	_ =	swait.ge @!p1 [sflag:s14], $0x40  }
0x22: {  	s13 =	smov.u32 s11;
	p0 =	por !p0, !p0;
	[sflag:s14] =	ssyncset.done @!p1 $0x0  }
0x23: {  	s12 =	smov.u32 s16;
	s11 =	smov.u32 s15;
	[sflag:s14] =	ssyncadd.s32 @!p1 $0xFFFFFFC0  }
.LBB2_1:
0x24: {  	p1 =	sge.u32 s12, s8  }
0x25: {  	s14 =	sxor.u32 @!p1 $0xFFFFFFFF, s12  }
0x26: {  	s31 =	sadd.s32 $0xFFFFFFFF, s12;
	s15 =	sshrl.u32 @!p1 s11, $0x3;
	s14 =	sshll.u32 @!p1 s14, $0x6  }
0x27: {  	s16 =	sand.u32 @!p1 $0x7, s11;
	s15 =	sadd.s32 @!p1 s4, s15;
	s14 =	sand.u32 @!p1 $0x40, s14  }
0x28: {  	[tilespmem:s14], [sflag:$0x2] =	stream.linear.gather @!p1 [hbm4b:s15+s16], $0x40, $0x38;
	[tilespmem:$0x100] =	vst v63  }
0x29: {  	p1 =	sge.u32 s31, s8  }
.Ltmp2:
0x2a: {  	_ = 	snop;
	(pc) =	sbr.rel @p1 .LBB2_5-.Ltmp2, $1  }
0x2b: {  	_ =	sdelay $0x3  }
0x2c: {  	s14 =	simm.s32 $0x1  }
0x2d: {  	_ =	swait.ge [sflag:s7], $0x40;
	s14 =	simm.s32 @!p0 $0x0  }
0x2e: {  	[sflag:s7] =	ssyncset.done $0x0;
	s14 =	sshll.u32 s14, $0x6  }
0x2f: {  	[sflag:s7] =	ssyncadd.s32 $0xFFFFFFC0;
	(ifvalue) =	ssetifvalue $0x7FFFFFFF;
	v0 =	vld.msk [tilespmem:s14+$0x0 ss:$0x1], $0xffff;
	_ =	sdelay $0x4  }
0x30: {  	s15 =	sadd.s32 $0x10, s14;
	v2 =	vshrl.u32 v0, $0xC;
	v3 =	vshll.u32 v0, $0x7  }
0x31: {  	v1 =	vld.msk [tilespmem:s15+$0x0 ss:$0x1], $0xffff;
	vm1 =	veq.s32 v0, $0x80000000;
	v0 =	vand.u32 $0xF, v2;
	v2 =	vand.u32 $0x7FF80, v3  }
0x32: {  	v0 =	vsel vm1, $0xFFFFFFFF, v0;
	v2 =	vsel vm1, $0xFFFFFF80, v2  }
0x33: {  	v3 =	vand.u32 $0xFFFFFC00, v2;
	v4 =	vand.u32 $0xFFFFFC00, v0  }
0x34: {  	v2 =	vand.u32 $0x380, v2;
	v3 =	vadd.s32 v4, v3  }
0x35: {  	v0 =	vand.u32 $0x7F, v0;
	v2 =	vor.u32 v2, v3  }
0x36: {  	v5 =	vshll.u32 v1, $0x7;
	v4 =	vshrl.u32 v1, $0xC;
	v0 =	vor.u32 v0, v2  }
0x37: {  	s16 =	sshll.u32 s12, $0x6;
	vm1 =	veq.s32 v1, $0x80000000;
	v1 =	vand.u32 $0xF, v4;
	v4 =	vand.u32 $0x7FF80, v5  }
0x38: {  	s16 =	sand.u32 $0x40, s16;
	s18 =	sadd.s32 $0x10, s15;
	v3 =	vsel vm1, $0xFFFFFFFF, v1;
	v4 =	vsel vm1, $0xFFFFFF80, v4  }
0x39: {  	s17 =	simm.s32 $0x20;
	s15 =	sor.u32 $0x80, s14;
	s14 =	sor.u32 $0x80, s16;
	v1 =	vld.msk [tilespmem:s18+$0x0 ss:$0x1], $0xffff;
	v5 =	vand.u32 $0xFFFFFC00, v4;
	v6 =	vand.u32 $0xFFFFFC00, v3  }
0x3a: {  	s16 =	sadd.s32 $0x10, s15;
	s18 =	sadd.s32 $0x10, s18;
	(ifvalue) =	ssetifvalue $0x7FFFFFFF;
	v2 =	vand.u32 $0x7F, v3;
	v4 =	vand.u32 $0x380, v4;
	v3 =	vadd.s32 v6, v5  }
.LBB2_3:
0x3b: {  	[tilespmem:s15], [sflag:$0x1] =	stream.indirect_vreg.gather [hbm4b:s2+s10], $0x1, v0, vm0, $0x4038;
	[tilespmem:$0x100] =	vst v63  }
0x3c: {  	s17 =	sadd.s32 $0x10, s17  }
0x3d: {  	v3 =	vor.u32 v4, v3;
	p1 =	slt.u32 s17, $0x30  }
.Ltmp3:
0x3e: {  	v4 =	vshrl.u32 v1, $0xC;
	v5 =	vshll.u32 v1, $0x7;
	s15 =	smov.u32 s16;
	v0 =	vor.u32 v2, v3;
	v2 =	vmovc v1;
	v1 =	vld.msk [tilespmem:s18+$0x0 ss:$0x1], $0xffff;
	(pc) =	sbr.rel @p1 .LBB2_3-.Ltmp3, $4  }
0x3f: {  	v3 =	vand.u32 $0x7FF80, v5;
	vm1 =	veq.s32 v2, $0x80000000;
	v2 =	vand.u32 $0xF, v4  }
0x40: {  	v4 =	vsel vm1, $0xFFFFFFFF, v2;
	v5 =	vsel vm1, $0xFFFFFF80, v3  }
0x41: {  	v2 =	vand.u32 $0x7F, v4;
	v3 =	vand.u32 $0xFFFFFC00, v5;
	v4 =	vand.u32 $0xFFFFFC00, v4  }
0x42: {  	s16 =	sadd.s32 $0x10, s16;
	s18 =	sadd.s32 $0x10, s18;
	v3 =	vadd.s32 v4, v3;
	v4 =	vand.u32 $0x380, v5;
	(ifvalue) =	ssetifvalue $0x7FFFFFFF  }
.Ltmp4:
0x43: {  	_ = 	snop;
	(pc) =	sbr.rel .LBB2_4-.Ltmp4, $1  }
0x44: {  	_ =	sdelay $0x3  }
.LBB2_6:
0x45: {  	_ =	sfence.sel $0x180000  }
0x46: {  	s2 =	simm.s32 $0x2;
	[bflag:$0x0] =	sbarrier.arrive $0xFFFF  }
0x47: {  	s30 =	simm.s32 $0x3;
	[sflag:s2] =	ssyncpa.u1 $0x1  }
0x48: {  	s31 =	simm.s32 $0x1;
	[sflag:s30] =	ssyncpa.u1 $0x1  }
0x49: {  	[sflag:s31] =	ssyncpa.u1 $0x1  }
0x4a: {  	p0 =	sne.s32 s0, $0x0;
	_ =	strace $0x90000047  }
0x4b: {  	s0 =	sadd.s32 @!p0 $0x100000, s1;
	[bflag:$0x2] =	sbarrier.arrive $0xFFFF  }
0x4c: {  	[sflag:s0] =	ssyncadd.tile.s32 @!p0 $0x1;
	_ =	shalt  }
.Lfunc_end2:
_tile_overlayer_lowered:
.L_overlay_start_2:
0x4d: {  	(tag) =	ssettag $0x2  }
0x4e: {  	s0 =	rddreg [dreg:$0x0];
	s2 =	stileid.u32  }
0x4f: {  	s1 =	rddreg [dreg:$0x1];
	p0 =	sne.s32 s2, $0x0  }
0x50: {  	s3 =	rddreg [dreg:$0x2];
	[bflag:$0x3] =	sbarrier.arrive $0xFFFF;
	s2 =	simm.s32 @!p0 $0x1C01  }
0x51: {  	[timem:s3], [sflag:s2] =	dma.local @!p0 [hbm:s0], s1  }
0x52: {  	s0 =	simm.s32 @!p0 $0x1  }
0x53: {  	_ =	swait.ge @!p0 [sflag:s0], s1  }
0x54: {  	s1 =	ssub.s32 @!p0 $0x0, s1;
	[sflag:s0] =	ssyncset.done @!p0 $0x0  }
0x55: {  	[sflag:s0] =	ssyncadd.s32 @!p0 s1  }
0x56: {  	[bflag:$0x3] =	sbarrier.arrive $0xFFFF  }
0x57: {  	_ =	shalt  }

</sc_bundles>
